<compile_context>
chip_gen: v7x
topology: tpu7x:2x2x1
jax: 0.10.2.dev20260603
libtpu: 0.0.44.dev20260713+nightly
codegen_flags: <defaults>
</compile_context>

<pallas_src>
import functools

import jax
import jax.numpy as jnp
from jax import lax
from jax.experimental import pallas as pl
from jax.experimental.pallas import tpu as pltpu
from jax.experimental.pallas import tpu_sc as plsc

DIM, K = 32, 8192
NB = 1024
KB = 2048


def _vq_dist_body(xT_ref, w_ref, b_ref, eT_ref, ind_ref, mind_ref):
    xpT = jnp.dot(w_ref[...].astype(jnp.bfloat16),
                  xT_ref[...].astype(jnp.bfloat16),
                  preferred_element_type=jnp.float32) + b_ref[...]
    f2 = jnp.sum(xpT * xpT, axis=0, keepdims=True)
    run_min = None
    run_idx = None
    for j in range(K // KB):
        eT = eT_ref[pl.ds(j * KB, KB), :]
        e2 = jnp.sum(eT * eT, axis=1, keepdims=True)
        sT = jnp.dot(eT.astype(jnp.bfloat16), xpT.astype(jnp.bfloat16),
                     preferred_element_type=jnp.float32)
        d = f2 - 2.0 * sT + e2
        bmin = jnp.min(d, axis=0, keepdims=True)
        iota = lax.broadcasted_iota(jnp.int32, (KB, NB), 0) + j * KB
        cand = jnp.where(d == bmin, iota, K)
        bidx = jnp.min(cand, axis=0, keepdims=True)
        if j == 0:
            run_min, run_idx = bmin, bidx
        else:
            better = bmin < run_min
            run_min = jnp.where(better, bmin, run_min)
            run_idx = jnp.where(better, bidx, run_idx)
    ind_ref[...] = run_idx.reshape(1, 1, NB)
    mind_ref[...] = run_min.reshape(1, 1, NB)


def _vq_distance_argmin(xT, conv_w, conv_b, embed_T):
    n = xT.shape[1]
    nt = n // NB
    return pl.pallas_call(
        _vq_dist_body,
        grid=(nt,),
        in_specs=[
            pl.BlockSpec((xT.shape[0], NB), lambda i: (0, i)),
            pl.BlockSpec(conv_w.shape, lambda i: (0, 0)),
            pl.BlockSpec((DIM, 1), lambda i: (0, 0)),
            pl.BlockSpec((K, DIM), lambda i: (0, 0)),
        ],
        out_specs=[
            pl.BlockSpec((1, 1, NB), lambda i: (i, 0, 0)),
            pl.BlockSpec((1, 1, NB), lambda i: (i, 0, 0)),
        ],
        out_shape=[
            jax.ShapeDtypeStruct((nt, 1, NB), jnp.int32),
            jax.ShapeDtypeStruct((nt, 1, NB), jnp.float32),
        ],
    )(xT, conv_w, conv_b, embed_T)


def _make_sc_gather(n):
    info = plsc.get_sparse_core_info()
    nc, ns = info.num_cores, info.num_subcores
    nw = nc * ns
    b_per_w = n // nw
    mesh = plsc.VectorSubcoreMesh(core_axis_name="c", subcore_axis_name="s")

    @functools.partial(
        pl.kernel,
        mesh=mesh,
        compiler_params=pltpu.CompilerParams(use_tc_tiling_on_sc=False),
        out_type=jax.ShapeDtypeStruct((n, DIM), jnp.float32),
        scratch_types=[
            pltpu.VMEM((b_per_w,), jnp.int32),
            pltpu.VMEM((b_per_w, DIM), jnp.float32),
            pltpu.SemaphoreType.DMA,
        ],
    )
    def gather_kernel(table_hbm, idx_hbm, out_hbm, idx_v, rows_v, sem):
        wid = lax.axis_index("s") * nc + lax.axis_index("c")
        base = wid * b_per_w
        pltpu.sync_copy(idx_hbm.at[pl.ds(base, b_per_w)], idx_v)
        pltpu.async_copy(table_hbm.at[idx_v], rows_v, sem).wait()
        pltpu.sync_copy(rows_v, out_hbm.at[pl.ds(base, b_per_w)])

    return gather_kernel


def kernel(x, conv_w, conv_b, embed):
    b, c, h, w = x.shape
    n = b * h * w
    xT = x.astype(jnp.float32).transpose(1, 0, 2, 3).reshape(c, n)
    embed_T = embed.T
    ind3, mind3 = _vq_distance_argmin(
        xT, conv_w, conv_b.reshape(DIM, 1), embed_T)
    ind = ind3.reshape(n)
    quantize = _make_sc_gather(n)(embed_T, ind)
    diff = jnp.sum(mind3) / (n * DIM)
    quantize_t = quantize.reshape(b, h, w, DIM).transpose(0, 3, 1, 2)
    return (quantize_t, diff, ind.reshape(b, h, w))

# --- scband reference (transcript-rebuilt; emitter-appended) ---
"""Pipeline reference for scband-vector-quantiser-9474697855751 (READ-ONLY COPY).

The authoritative reference and input builder live on the scoring server;
editing this copy changes nothing except your own understanding.
"""

import jax, jax.numpy as jnp
import numpy as np

B, C, H, W = 16, 96, 32, 32
DIM, K = 32, 8192

def setup_inputs(seed: int = 0) -> dict:
    key = jax.random.key(seed)
    k0, k1, k2, k3 = jax.random.split(key, 4)
    x = jax.random.normal(k0, (B, C, H, W), dtype=jnp.float32)
    # conv_in is a 1x1 conv: weight [embed_dim, in_channels], bias [embed_dim]
    conv_w = jax.random.normal(k1, (DIM, C), dtype=jnp.float32) * 0.1
    conv_b = jax.random.normal(k2, (DIM,), dtype=jnp.float32) * 0.01
    # codebook stored as [embed_dim, nb_entries] like the torch buffer
    embed = jax.random.normal(k3, (DIM, K), dtype=jnp.float32)
    return {"x": x, "conv_w": conv_w, "conv_b": conv_b, "embed": embed}

def reference(x, conv_w, conv_b, embed):
    # 1x1 conv then permute to channels-last: [B, H, W, DIM]
    xp = jnp.einsum('bchw,ec->bhwe', x.astype(jnp.float32), conv_w) + conv_b
    flatten = xp.reshape(-1, DIM)
    # squared-distance matrix [N, K]
    dist = (flatten ** 2).sum(1, keepdims=True) - 2.0 * (flatten @ embed) + (embed ** 2).sum(0, keepdims=True)
    embed_ind = jnp.argmax(-dist, axis=1)
    # embedding lookup (gather rows of embed.T)
    quantize = jnp.take(embed.T, embed_ind, axis=0).reshape(xp.shape)
    embed_ind_out = embed_ind.reshape(xp.shape[:-1])
    diff = jnp.mean((jax.lax.stop_gradient(quantize) - xp) ** 2)
    # straight-through estimator
    quantize = xp + jax.lax.stop_gradient(quantize - xp)
    return (quantize.transpose(0, 3, 1, 2), diff, embed_ind_out)

if __name__ == "__main__":
    import jax
    _d = setup_inputs()
    print(jax.jit(kernel)(*tuple(_d.values())))

</pallas_src>

<mosaic_0001>
#map = affine_map<(d0, d1) -> (0, 0)>
#map1 = affine_map<(d0, d1) -> (0)>
module attributes {stable_mosaic.version = 14 : i64} {
  func.func @gather_kernel(%arg0: i32, %arg1: i32, %arg2: memref<8192x32xf32, #tpu.memory_space<hbm>>, %arg3: memref<16384xi32, #tpu.memory_space<hbm>>, %arg4: memref<16384x32xf32, #tpu.memory_space<hbm>>, %arg5: memref<512xi32, #tpu.memory_space<vmem>>, %arg6: memref<512x32xf32, #tpu.memory_space<vmem>>, %arg7: memref<!tpu.dma_semaphore, #tpu.memory_space<semaphore_mem>>) attributes {dimension_semantics = [#tpu.dimension_semantics<core_parallel>, #tpu.dimension_semantics<subcore_parallel>], iteration_bounds = array<i64: 2, 16>, scalar_prefetch = 0 : i64, scratch_operands = 3 : i64, tpu.core_type = #tpu.core_type<sc_vector_subcore>, window_params = [{transform_indices = #map}, {transform_indices = #map1}, {transform_indices = #map}]} {
    %mul3A = arith.constant 2 : i32
    %mul3A_0 = arith.muli %arg1, %mul3A : i32
    %add3A = arith.addi %mul3A_0, %arg0 : i32
    %mul3A_1 = arith.constant 512 : i32
    %mul3A_2 = arith.muli %add3A, %mul3A_1 : i32
    "tpu.region"() ({
      %run_scoped3A = tpu.sem_alloc : memref<!tpu.dma_semaphore, #tpu.memory_space<semaphore_mem>>
      %dma_start3A_7 = tpu.memref_slice %arg3[%mul3A_2] : memref<16384xi32, #tpu.memory_space<hbm>> -> memref<512xi32, #tpu.memory_space<hbm>>
      %dma_start3A_8 = tpu.memref_slice %arg3[%mul3A_2] : memref<16384xi32, #tpu.memory_space<hbm>> -> memref<512xi32, #tpu.memory_space<hbm>>
      tpu.enqueue_dma source(%dma_start3A_8 : memref<512xi32, #tpu.memory_space<hbm>>) target(%arg5 : memref<512xi32, #tpu.memory_space<vmem>>) target_semaphore(%run_scoped3A : memref<!tpu.dma_semaphore, #tpu.memory_space<semaphore_mem>>)
      %dma_wait3A_9 = tpu.memref_slice %arg3[%mul3A_2] : memref<16384xi32, #tpu.memory_space<hbm>> -> memref<512xi32, #tpu.memory_space<hbm>>
      %dma_wait3A_10 = tpu.memref_slice %arg3[%mul3A_2] : memref<16384xi32, #tpu.memory_space<hbm>> -> memref<512xi32, #tpu.memory_space<hbm>>
      tpu.wait_dma2 semaphore(%run_scoped3A : memref<!tpu.dma_semaphore, #tpu.memory_space<semaphore_mem>>) src(%dma_wait3A_10 : memref<512xi32, #tpu.memory_space<hbm>>) dst(%arg5 : memref<512xi32, #tpu.memory_space<vmem>>)
      tpu.yield
    }) : () -> ()
    %dma_start3A = arith.constant 0 : i32
    %dma_start3A_3 = arith.constant 0 : i32
    %dma_start3A_4 = tpu.memref_slice %arg2[%dma_start3A, %dma_start3A_3] : memref<8192x32xf32, #tpu.memory_space<hbm>> -> memref<8192x32xf32, #tpu.memory_space<hbm>>
    tpu.enqueue_indirect_dma source(%dma_start3A_4 : memref<8192x32xf32, #tpu.memory_space<hbm>>) target(%arg6 : memref<512x32xf32, #tpu.memory_space<vmem>>) offsets(%arg5 : memref<512xi32, #tpu.memory_space<vmem>>) semaphore(%arg7 : memref<!tpu.dma_semaphore, #tpu.memory_space<semaphore_mem>>)
    %dma_wait3A = arith.constant 0 : i32
    %dma_wait3A_5 = arith.constant 0 : i32
    %dma_wait3A_6 = tpu.memref_slice %arg2[%dma_wait3A, %dma_wait3A_5] : memref<8192x32xf32, #tpu.memory_space<hbm>> -> memref<8192x32xf32, #tpu.memory_space<hbm>>
    tpu.wait_indirect_dma semaphore(%arg7 : memref<!tpu.dma_semaphore, #tpu.memory_space<semaphore_mem>>) src(%dma_wait3A_6 : memref<8192x32xf32, #tpu.memory_space<hbm>>) dst(%arg6 : memref<512x32xf32, #tpu.memory_space<vmem>>)
    "tpu.region"() ({
      %run_scoped3A = tpu.sem_alloc : memref<!tpu.dma_semaphore, #tpu.memory_space<semaphore_mem>>
      %dma_start3A_7 = arith.constant 0 : i32
      %dma_start3A_8 = tpu.memref_slice %arg4[%mul3A_2, %dma_start3A_7] : memref<16384x32xf32, #tpu.memory_space<hbm>> -> memref<512x32xf32, #tpu.memory_space<hbm>>
      %dma_start3A_9 = arith.constant 0 : i32
      %dma_start3A_10 = tpu.memref_slice %arg4[%mul3A_2, %dma_start3A_9] : memref<16384x32xf32, #tpu.memory_space<hbm>> -> memref<512x32xf32, #tpu.memory_space<hbm>>
      tpu.enqueue_dma source(%arg6 : memref<512x32xf32, #tpu.memory_space<vmem>>) target(%dma_start3A_10 : memref<512x32xf32, #tpu.memory_space<hbm>>) target_semaphore(%run_scoped3A : memref<!tpu.dma_semaphore, #tpu.memory_space<semaphore_mem>>)
      %dma_wait3A_11 = arith.constant 0 : i32
      %dma_wait3A_12 = tpu.memref_slice %arg4[%mul3A_2, %dma_wait3A_11] : memref<16384x32xf32, #tpu.memory_space<hbm>> -> memref<512x32xf32, #tpu.memory_space<hbm>>
      %dma_wait3A_13 = arith.constant 0 : i32
      %dma_wait3A_14 = tpu.memref_slice %arg4[%mul3A_2, %dma_wait3A_13] : memref<16384x32xf32, #tpu.memory_space<hbm>> -> memref<512x32xf32, #tpu.memory_space<hbm>>
      tpu.wait_dma2 semaphore(%run_scoped3A : memref<!tpu.dma_semaphore, #tpu.memory_space<semaphore_mem>>) src(%arg6 : memref<512x32xf32, #tpu.memory_space<vmem>>) dst(%dma_wait3A_14 : memref<512x32xf32, #tpu.memory_space<hbm>>)
      tpu.yield
    }) : () -> ()
    return
  }
}

module attributes {stable_mosaic.version = 14 : i64} {
  func.func @_vq_dist_body(%arg0: i32, %arg1: memref<96x1024xf32, #tpu.memory_space<vmem>>, %arg2: memref<32x96xf32, #tpu.memory_space<vmem>>, %arg3: memref<32x1xf32, #tpu.memory_space<vmem>>, %arg4: memref<8192x32xf32, #tpu.memory_space<vmem>>, %arg5: memref<1x1x1024xi32, #tpu.memory_space<vmem>>, %arg6: memref<1x1x1024xf32, #tpu.memory_space<vmem>>) attributes {dimension_semantics = [#tpu.dimension_semantics<arbitrary>], iteration_bounds = array<i64: 16>, scalar_prefetch = 0 : i64, scratch_operands = 0 : i64, tpu.core_type = #tpu.core_type<tc>, window_params = [{transform_indices = @transform_0, window_bounds = array<i64: 96, 1024>}, {pipeline_mode = #tpu.pipeline_mode<synchronous>, transform_indices = @transform_1, window_bounds = array<i64: 32, 96>}, {pipeline_mode = #tpu.pipeline_mode<synchronous>, transform_indices = @transform_2, window_bounds = array<i64: 32, 1>}, {pipeline_mode = #tpu.pipeline_mode<synchronous>, transform_indices = @transform_3, window_bounds = array<i64: 8192, 32>}, {transform_indices = @transform_4, window_bounds = array<i64: 1, 1, 1024>}, {transform_indices = @transform_5, window_bounds = array<i64: 1, 1, 1024>}]} {
    %get3A = arith.constant 0 : index
    %get3A_0 = arith.constant 0 : index
    %get3A_1 = vector.load %arg2[%get3A, %get3A_0] : memref<32x96xf32, #tpu.memory_space<vmem>>, vector<32x96xf32>
    %convert_element_type3A = arith.truncf %get3A_1 : vector<32x96xf32> to vector<32x96xbf16>
    %get3A_2 = arith.constant 0 : index
    %get3A_3 = arith.constant 0 : index
    %get3A_4 = vector.load %arg1[%get3A_2, %get3A_3] : memref<96x1024xf32, #tpu.memory_space<vmem>>, vector<96x1024xf32>
    %convert_element_type3A_5 = arith.truncf %get3A_4 : vector<96x1024xf32> to vector<96x1024xbf16>
    %dot_general3A = arith.constant dense<0.000000e+00> : vector<32x1024xf32>
    %dot_general3A_6 = tpu.matmul %convert_element_type3A, %convert_element_type3A_5, %dot_general3A {dimension_numbers = #tpu.dot_dimension_numbers<[1], [0], [0], [1], [0, 0, 1, 1], [], []>, transpose_lhs_hint = false} : vector<32x96xbf16>, vector<96x1024xbf16>, vector<32x1024xf32> -> vector<32x1024xf32>
    %get3A_7 = arith.constant 0 : index
    %get3A_8 = arith.constant 0 : index
    %get3A_9 = vector.load %arg3[%get3A_7, %get3A_8] : memref<32x1xf32, #tpu.memory_space<vmem>>, vector<32x1xf32>
    %add3A = vector.broadcast %get3A_9 : vector<32x1xf32> to vector<32x1024xf32>
    %add3A_10 = arith.addf %dot_general3A_6, %add3A : vector<32x1024xf32>
    %mul3A = arith.mulf %add3A_10, %add3A_10 : vector<32x1024xf32>
    %reduce_sum3A = arith.constant dense<0.000000e+00> : vector<1024xf32>
    %reduce_sum3A_11 = vector.multi_reduction <add>, %mul3A, %reduce_sum3A [0] : vector<32x1024xf32> to vector<1024xf32>
    %broadcast_in_dim3A = vector.shape_cast %reduce_sum3A_11 : vector<1024xf32> to vector<1x1024xf32>
    %get3A_12 = arith.constant 0 : index
    %get3A_13 = arith.constant 0 : index
    %get3A_14 = vector.load %arg4[%get3A_12, %get3A_13] : memref<8192x32xf32, #tpu.memory_space<vmem>>, vector<2048x32xf32>
    %mul3A_15 = arith.mulf %get3A_14, %get3A_14 : vector<2048x32xf32>
    %reduce_sum3A_16 = arith.constant dense<0.000000e+00> : vector<2048xf32>
    %reduce_sum3A_17 = vector.multi_reduction <add>, %mul3A_15, %reduce_sum3A_16 [1] : vector<2048x32xf32> to vector<2048xf32>
    %broadcast_in_dim3A_18 = vector.shape_cast %reduce_sum3A_17 : vector<2048xf32> to vector<2048x1xf32>
    %convert_element_type3A_19 = arith.truncf %get3A_14 : vector<2048x32xf32> to vector<2048x32xbf16>
    %convert_element_type3A_20 = arith.truncf %add3A_10 : vector<32x1024xf32> to vector<32x1024xbf16>
    %dot_general3A_21 = arith.constant dense<0.000000e+00> : vector<2048x1024xf32>
    %dot_general3A_22 = tpu.matmul %convert_element_type3A_19, %convert_element_type3A_20, %dot_general3A_21 {dimension_numbers = #tpu.dot_dimension_numbers<[1], [0], [0], [1], [0, 0, 1, 1], [], []>, transpose_lhs_hint = false} : vector<2048x32xbf16>, vector<32x1024xbf16>, vector<2048x1024xf32> -> vector<2048x1024xf32>
    %mul3A_23 = arith.constant 2.000000e+00 : f32
    %mul3A_24 = vector.broadcast %mul3A_23 : f32 to vector<2048x1024xf32>
    %mul3A_25 = arith.mulf %mul3A_24, %dot_general3A_22 : vector<2048x1024xf32>
    %sub3A = vector.broadcast %broadcast_in_dim3A : vector<1x1024xf32> to vector<2048x1024xf32>
    %sub3A_26 = arith.subf %sub3A, %mul3A_25 : vector<2048x1024xf32>
    %add3A_27 = vector.broadcast %broadcast_in_dim3A_18 : vector<2048x1xf32> to vector<2048x1024xf32>
    %add3A_28 = arith.addf %sub3A_26, %add3A_27 : vector<2048x1024xf32>
    %reduce_min3A = arith.constant dense<0x7F800000> : vector<1024xf32>
    %reduce_min3A_29 = vector.multi_reduction <minimumf>, %add3A_28, %reduce_min3A [0] : vector<2048x1024xf32> to vector<1024xf32>
    %broadcast_in_dim3A_30 = vector.shape_cast %reduce_min3A_29 : vector<1024xf32> to vector<1x1024xf32>
    %iota3A = tpu.iota {dimensions = array<i32: 0>} : vector<2048x1024xi32>
    %add3A_31 = arith.constant 0 : i32
    %add3A_32 = vector.broadcast %add3A_31 : i32 to vector<2048x1024xi32>
    %add3A_33 = arith.addi %iota3A, %add3A_32 : vector<2048x1024xi32>
    %eq3A = vector.broadcast %broadcast_in_dim3A_30 : vector<1x1024xf32> to vector<2048x1024xf32>
    %eq3A_34 = arith.cmpf oeq, %add3A_28, %eq3A : vector<2048x1024xf32>
    %jit3A = arith.constant 8192 : i32
    %broadcast_in_dim3A_35 = vector.broadcast %jit3A : i32 to vector<2048x1024xi32>
    %select_n3A = arith.select %eq3A_34, %add3A_33, %broadcast_in_dim3A_35 : vector<2048x1024xi1>, vector<2048x1024xi32>
    %reduce_min3A_36 = arith.constant dense<2147483647> : vector<1024xi32>
    %reduce_min3A_37 = vector.multi_reduction <minsi>, %select_n3A, %reduce_min3A_36 [0] : vector<2048x1024xi32> to vector<1024xi32>
    %broadcast_in_dim3A_38 = vector.shape_cast %reduce_min3A_37 : vector<1024xi32> to vector<1x1024xi32>
    %get3A_39 = arith.constant 2048 : index
    %get3A_40 = arith.constant 0 : index
    %get3A_41 = vector.load %arg4[%get3A_39, %get3A_40] : memref<8192x32xf32, #tpu.memory_space<vmem>>, vector<2048x32xf32>
    %mul3A_42 = arith.mulf %get3A_41, %get3A_41 : vector<2048x32xf32>
    %reduce_sum3A_43 = arith.constant dense<0.000000e+00> : vector<2048xf32>
    %reduce_sum3A_44 = vector.multi_reduction <add>, %mul3A_42, %reduce_sum3A_43 [1] : vector<2048x32xf32> to vector<2048xf32>
    %broadcast_in_dim3A_45 = vector.shape_cast %reduce_sum3A_44 : vector<2048xf32> to vector<2048x1xf32>
    %convert_element_type3A_46 = arith.truncf %get3A_41 : vector<2048x32xf32> to vector<2048x32xbf16>
    %convert_element_type3A_47 = arith.truncf %add3A_10 : vector<32x1024xf32> to vector<32x1024xbf16>
    %dot_general3A_48 = arith.constant dense<0.000000e+00> : vector<2048x1024xf32>
    %dot_general3A_49 = tpu.matmul %convert_element_type3A_46, %convert_element_type3A_47, %dot_general3A_48 {dimension_numbers = #tpu.dot_dimension_numbers<[1], [0], [0], [1], [0, 0, 1, 1], [], []>, transpose_lhs_hint = false} : vector<2048x32xbf16>, vector<32x1024xbf16>, vector<2048x1024xf32> -> vector<2048x1024xf32>
    %mul3A_50 = arith.constant 2.000000e+00 : f32
    %mul3A_51 = vector.broadcast %mul3A_50 : f32 to vector<2048x1024xf32>
    %mul3A_52 = arith.mulf %mul3A_51, %dot_general3A_49 : vector<2048x1024xf32>
    %sub3A_53 = vector.broadcast %broadcast_in_dim3A : vector<1x1024xf32> to vector<2048x1024xf32>
    %sub3A_54 = arith.subf %sub3A_53, %mul3A_52 : vector<2048x1024xf32>
    %add3A_55 = vector.broadcast %broadcast_in_dim3A_45 : vector<2048x1xf32> to vector<2048x1024xf32>
    %add3A_56 = arith.addf %sub3A_54, %add3A_55 : vector<2048x1024xf32>
    %reduce_min3A_57 = arith.constant dense<0x7F800000> : vector<1024xf32>
    %reduce_min3A_58 = vector.multi_reduction <minimumf>, %add3A_56, %reduce_min3A_57 [0] : vector<2048x1024xf32> to vector<1024xf32>
    %broadcast_in_dim3A_59 = vector.shape_cast %reduce_min3A_58 : vector<1024xf32> to vector<1x1024xf32>
    %iota3A_60 = tpu.iota {dimensions = array<i32: 0>} : vector<2048x1024xi32>
    %add3A_61 = arith.constant 2048 : i32
    %add3A_62 = vector.broadcast %add3A_61 : i32 to vector<2048x1024xi32>
    %add3A_63 = arith.addi %iota3A_60, %add3A_62 : vector<2048x1024xi32>
    %eq3A_64 = vector.broadcast %broadcast_in_dim3A_59 : vector<1x1024xf32> to vector<2048x1024xf32>
    %eq3A_65 = arith.cmpf oeq, %add3A_56, %eq3A_64 : vector<2048x1024xf32>
    %jit3A_66 = arith.constant 8192 : i32
    %broadcast_in_dim3A_67 = vector.broadcast %jit3A_66 : i32 to vector<2048x1024xi32>
    %select_n3A_68 = arith.select %eq3A_65, %add3A_63, %broadcast_in_dim3A_67 : vector<2048x1024xi1>, vector<2048x1024xi32>
    %reduce_min3A_69 = arith.constant dense<2147483647> : vector<1024xi32>
    %reduce_min3A_70 = vector.multi_reduction <minsi>, %select_n3A_68, %reduce_min3A_69 [0] : vector<2048x1024xi32> to vector<1024xi32>
    %broadcast_in_dim3A_71 = vector.shape_cast %reduce_min3A_70 : vector<1024xi32> to vector<1x1024xi32>
    %lt3A = arith.cmpf olt, %broadcast_in_dim3A_59, %broadcast_in_dim3A_30 : vector<1x1024xf32>
    %select_n3A_72 = arith.select %lt3A, %broadcast_in_dim3A_59, %broadcast_in_dim3A_30 : vector<1x1024xi1>, vector<1x1024xf32>
    %select_n3A_73 = arith.select %lt3A, %broadcast_in_dim3A_71, %broadcast_in_dim3A_38 : vector<1x1024xi1>, vector<1x1024xi32>
    %get3A_74 = arith.constant 4096 : index
    %get3A_75 = arith.constant 0 : index
    %get3A_76 = vector.load %arg4[%get3A_74, %get3A_75] : memref<8192x32xf32, #tpu.memory_space<vmem>>, vector<2048x32xf32>
    %mul3A_77 = arith.mulf %get3A_76, %get3A_76 : vector<2048x32xf32>
    %reduce_sum3A_78 = arith.constant dense<0.000000e+00> : vector<2048xf32>
    %reduce_sum3A_79 = vector.multi_reduction <add>, %mul3A_77, %reduce_sum3A_78 [1] : vector<2048x32xf32> to vector<2048xf32>
    %broadcast_in_dim3A_80 = vector.shape_cast %reduce_sum3A_79 : vector<2048xf32> to vector<2048x1xf32>
    %convert_element_type3A_81 = arith.truncf %get3A_76 : vector<2048x32xf32> to vector<2048x32xbf16>
    %convert_element_type3A_82 = arith.truncf %add3A_10 : vector<32x1024xf32> to vector<32x1024xbf16>
    %dot_general3A_83 = arith.constant dense<0.000000e+00> : vector<2048x1024xf32>
    %dot_general3A_84 = tpu.matmul %convert_element_type3A_81, %convert_element_type3A_82, %dot_general3A_83 {dimension_numbers = #tpu.dot_dimension_numbers<[1], [0], [0], [1], [0, 0, 1, 1], [], []>, transpose_lhs_hint = false} : vector<2048x32xbf16>, vector<32x1024xbf16>, vector<2048x1024xf32> -> vector<2048x1024xf32>
    %mul3A_85 = arith.constant 2.000000e+00 : f32
    %mul3A_86 = vector.broadcast %mul3A_85 : f32 to vector<2048x1024xf32>
    %mul3A_87 = arith.mulf %mul3A_86, %dot_general3A_84 : vector<2048x1024xf32>
    %sub3A_88 = vector.broadcast %broadcast_in_dim3A : vector<1x1024xf32> to vector<2048x1024xf32>
    %sub3A_89 = arith.subf %sub3A_88, %mul3A_87 : vector<2048x1024xf32>
    %add3A_90 = vector.broadcast %broadcast_in_dim3A_80 : vector<2048x1xf32> to vector<2048x1024xf32>
    %add3A_91 = arith.addf %sub3A_89, %add3A_90 : vector<2048x1024xf32>
    %reduce_min3A_92 = arith.constant dense<0x7F800000> : vector<1024xf32>
    %reduce_min3A_93 = vector.multi_reduction <minimumf>, %add3A_91, %reduce_min3A_92 [0] : vector<2048x1024xf32> to vector<1024xf32>
    %broadcast_in_dim3A_94 = vector.shape_cast %reduce_min3A_93 : vector<1024xf32> to vector<1x1024xf32>
    %iota3A_95 = tpu.iota {dimensions = array<i32: 0>} : vector<2048x1024xi32>
    %add3A_96 = arith.constant 4096 : i32
    %add3A_97 = vector.broadcast %add3A_96 : i32 to vector<2048x1024xi32>
    %add3A_98 = arith.addi %iota3A_95, %add3A_97 : vector<2048x1024xi32>
    %eq3A_99 = vector.broadcast %broadcast_in_dim3A_94 : vector<1x1024xf32> to vector<2048x1024xf32>
    %eq3A_100 = arith.cmpf oeq, %add3A_91, %eq3A_99 : vector<2048x1024xf32>
    %jit3A_101 = arith.constant 8192 : i32
    %broadcast_in_dim3A_102 = vector.broadcast %jit3A_101 : i32 to vector<2048x1024xi32>
    %select_n3A_103 = arith.select %eq3A_100, %add3A_98, %broadcast_in_dim3A_102 : vector<2048x1024xi1>, vector<2048x1024xi32>
    %reduce_min3A_104 = arith.constant dense<2147483647> : vector<1024xi32>
    %reduce_min3A_105 = vector.multi_reduction <minsi>, %select_n3A_103, %reduce_min3A_104 [0] : vector<2048x1024xi32> to vector<1024xi32>
    %broadcast_in_dim3A_106 = vector.shape_cast %reduce_min3A_105 : vector<1024xi32> to vector<1x1024xi32>
    %lt3A_107 = arith.cmpf olt, %broadcast_in_dim3A_94, %select_n3A_72 : vector<1x1024xf32>
    %select_n3A_108 = arith.select %lt3A_107, %broadcast_in_dim3A_94, %select_n3A_72 : vector<1x1024xi1>, vector<1x1024xf32>
    %select_n3A_109 = arith.select %lt3A_107, %broadcast_in_dim3A_106, %select_n3A_73 : vector<1x1024xi1>, vector<1x1024xi32>
    %get3A_110 = arith.constant 6144 : index
    %get3A_111 = arith.constant 0 : index
    %get3A_112 = vector.load %arg4[%get3A_110, %get3A_111] : memref<8192x32xf32, #tpu.memory_space<vmem>>, vector<2048x32xf32>
    %mul3A_113 = arith.mulf %get3A_112, %get3A_112 : vector<2048x32xf32>
    %reduce_sum3A_114 = arith.constant dense<0.000000e+00> : vector<2048xf32>
    %reduce_sum3A_115 = vector.multi_reduction <add>, %mul3A_113, %reduce_sum3A_114 [1] : vector<2048x32xf32> to vector<2048xf32>
    %broadcast_in_dim3A_116 = vector.shape_cast %reduce_sum3A_115 : vector<2048xf32> to vector<2048x1xf32>
    %convert_element_type3A_117 = arith.truncf %get3A_112 : vector<2048x32xf32> to vector<2048x32xbf16>
    %convert_element_type3A_118 = arith.truncf %add3A_10 : vector<32x1024xf32> to vector<32x1024xbf16>
    %dot_general3A_119 = arith.constant dense<0.000000e+00> : vector<2048x1024xf32>
    %dot_general3A_120 = tpu.matmul %convert_element_type3A_117, %convert_element_type3A_118, %dot_general3A_119 {dimension_numbers = #tpu.dot_dimension_numbers<[1], [0], [0], [1], [0, 0, 1, 1], [], []>, transpose_lhs_hint = false} : vector<2048x32xbf16>, vector<32x1024xbf16>, vector<2048x1024xf32> -> vector<2048x1024xf32>
    %mul3A_121 = arith.constant 2.000000e+00 : f32
    %mul3A_122 = vector.broadcast %mul3A_121 : f32 to vector<2048x1024xf32>
    %mul3A_123 = arith.mulf %mul3A_122, %dot_general3A_120 : vector<2048x1024xf32>
    %sub3A_124 = vector.broadcast %broadcast_in_dim3A : vector<1x1024xf32> to vector<2048x1024xf32>
    %sub3A_125 = arith.subf %sub3A_124, %mul3A_123 : vector<2048x1024xf32>
    %add3A_126 = vector.broadcast %broadcast_in_dim3A_116 : vector<2048x1xf32> to vector<2048x1024xf32>
    %add3A_127 = arith.addf %sub3A_125, %add3A_126 : vector<2048x1024xf32>
    %reduce_min3A_128 = arith.constant dense<0x7F800000> : vector<1024xf32>
    %reduce_min3A_129 = vector.multi_reduction <minimumf>, %add3A_127, %reduce_min3A_128 [0] : vector<2048x1024xf32> to vector<1024xf32>
    %broadcast_in_dim3A_130 = vector.shape_cast %reduce_min3A_129 : vector<1024xf32> to vector<1x1024xf32>
    %iota3A_131 = tpu.iota {dimensions = array<i32: 0>} : vector<2048x1024xi32>
    %add3A_132 = arith.constant 6144 : i32
    %add3A_133 = vector.broadcast %add3A_132 : i32 to vector<2048x1024xi32>
    %add3A_134 = arith.addi %iota3A_131, %add3A_133 : vector<2048x1024xi32>
    %eq3A_135 = vector.broadcast %broadcast_in_dim3A_130 : vector<1x1024xf32> to vector<2048x1024xf32>
    %eq3A_136 = arith.cmpf oeq, %add3A_127, %eq3A_135 : vector<2048x1024xf32>
    %jit3A_137 = arith.constant 8192 : i32
    %broadcast_in_dim3A_138 = vector.broadcast %jit3A_137 : i32 to vector<2048x1024xi32>
    %select_n3A_139 = arith.select %eq3A_136, %add3A_134, %broadcast_in_dim3A_138 : vector<2048x1024xi1>, vector<2048x1024xi32>
    %reduce_min3A_140 = arith.constant dense<2147483647> : vector<1024xi32>
    %reduce_min3A_141 = vector.multi_reduction <minsi>, %select_n3A_139, %reduce_min3A_140 [0] : vector<2048x1024xi32> to vector<1024xi32>
    %broadcast_in_dim3A_142 = vector.shape_cast %reduce_min3A_141 : vector<1024xi32> to vector<1x1024xi32>
    %lt3A_143 = arith.cmpf olt, %broadcast_in_dim3A_130, %select_n3A_108 : vector<1x1024xf32>
    %select_n3A_144 = arith.select %lt3A_143, %broadcast_in_dim3A_130, %select_n3A_108 : vector<1x1024xi1>, vector<1x1024xf32>
    %select_n3A_145 = arith.select %lt3A_143, %broadcast_in_dim3A_142, %select_n3A_109 : vector<1x1024xi1>, vector<1x1024xi32>
    %reshape3A = vector.shape_cast %select_n3A_145 : vector<1x1024xi32> to vector<1x1x1024xi32>
    %swap3A = arith.constant 0 : index
    %swap3A_146 = arith.constant 0 : index
    %swap3A_147 = arith.constant 0 : index
    %swap3A_148 = vector.load %arg5[%swap3A, %swap3A_146, %swap3A_147] : memref<1x1x1024xi32, #tpu.memory_space<vmem>>, vector<1x1x1024xi32>
    tpu.vector_store %arg5[%swap3A, %swap3A_146, %swap3A_147], %reshape3A {strides = array<i32>} : memref<1x1x1024xi32, #tpu.memory_space<vmem>>, vector<1x1x1024xi32>,
    %reshape3A_149 = vector.shape_cast %select_n3A_144 : vector<1x1024xf32> to vector<1x1x1024xf32>
    %swap3A_150 = arith.constant 0 : index
    %swap3A_151 = arith.constant 0 : index
    %swap3A_152 = arith.constant 0 : index
    %swap3A_153 = vector.load %arg6[%swap3A_150, %swap3A_151, %swap3A_152] : memref<1x1x1024xf32, #tpu.memory_space<vmem>>, vector<1x1x1024xf32>
    tpu.vector_store %arg6[%swap3A_150, %swap3A_151, %swap3A_152], %reshape3A_149 {strides = array<i32>} : memref<1x1x1024xf32, #tpu.memory_space<vmem>>, vector<1x1x1024xf32>,
    return
  }
  func.func @transform_0(%arg0: i32) -> (i32, i32) {
    %c0_i32 = arith.constant 0 : i32
    %c0_i32_0 = arith.constant 0 : i32
    return %c0_i32, %arg0 : i32, i32
  }
  func.func @transform_1(%arg0: i32) -> (i32, i32) {
    %c0_i32 = arith.constant 0 : i32
    %c0_i32_0 = arith.constant 0 : i32
    %c0_i32_1 = arith.constant 0 : i32
    return %c0_i32, %c0_i32_0 : i32, i32
  }
  func.func @transform_2(%arg0: i32) -> (i32, i32) {
    %c0_i32 = arith.constant 0 : i32
    %c0_i32_0 = arith.constant 0 : i32
    %c0_i32_1 = arith.constant 0 : i32
    return %c0_i32, %c0_i32_0 : i32, i32
  }
  func.func @transform_3(%arg0: i32) -> (i32, i32) {
    %c0_i32 = arith.constant 0 : i32
    %c0_i32_0 = arith.constant 0 : i32
    %c0_i32_1 = arith.constant 0 : i32
    return %c0_i32, %c0_i32_0 : i32, i32
  }
  func.func @transform_4(%arg0: i32) -> (i32, i32, i32) {
    %c0_i32 = arith.constant 0 : i32
    %c0_i32_0 = arith.constant 0 : i32
    %c0_i32_1 = arith.constant 0 : i32
    return %arg0, %c0_i32, %c0_i32_0 : i32, i32, i32
  }
  func.func @transform_5(%arg0: i32) -> (i32, i32, i32) {
    %c0_i32 = arith.constant 0 : i32
    %c0_i32_0 = arith.constant 0 : i32
    %c0_i32_1 = arith.constant 0 : i32
    return %arg0, %c0_i32, %c0_i32_0 : i32, i32, i32
  }
}

</mosaic_0001>

<sc_bundles>
// kernel: kernel.4.cloned.1.call-start
scs
__scs_entry_jumppad:
0x0: {  	(pc) =	sbr.rel $0x88, $3  }
0x1: {  	(tag) =	ssettag $0x0;
	lr =	simm.s32 $0x1  }
0x2: {  	[smem:$0x3F9D] =	sst lr;
	_ =	strace $0xD0000000  }
0x3: {  	_ = 	snop  }
0x4: {  	_ = 	snop  }
0x5: {  	_ = 	snop  }
0x6: {  	_ = 	snop  }
0x7: {  	_ = 	snop  }
__scs_overlays_trampoline_lowered:
0x8: {  	[smem:$0x3FAC] =	sst s0  }
0x9: {  	[smem:$0x3FAD] =	sst s1  }
0xa: {  	[smem:$0x3FAE] =	sst s2  }
0xb: {  	[smem:$0x3FAF] =	sst s3  }
0xc: {  	[smem:$0x3FB0] =	sst s4  }
0xd: {  	[smem:$0x3FB1] =	sst s5  }
0xe: {  	[smem:$0x3FB2] =	sst s6  }
0xf: {  	[smem:$0x3FB3] =	sst s7  }
0x10: {  	[smem:$0x3FB4] =	sst s8  }
0x11: {  	[smem:$0x3FB5] =	sst s9;
	s0 =	simm.s32 @!p0 $0x0  }
0x12: {  	s1 =	sld [smem:$0x3F9B];
	s0 =	simm.s32 @p0 $0x1  }
0x13: {  	[smem:$0x3FB6] =	sst s0;
	s0 =	simm.s32 @!p1 $0x0  }
0x14: {  	s2 =	sld [smem:$0x3F9A];
	s0 =	simm.s32 @p1 $0x1  }
0x15: {  	[smem:$0x3FB7] =	sst s0;
	s0 =	simm.s32 @!p2 $0x0  }
0x16: {  	s3 =	sld [smem:$0x3FDB];
	s0 =	simm.s32 @p2 $0x1  }
0x17: {  	s4 =	simm.s32 $0x1BF5;
	[smem:$0x3FB9] =	sst s0  }
0x18: {  	s0 =	sld [smem:$0x3F9C];
	_ =	swait.ge [sflag:s4], $0x0  }
0x19: {  	s7 =	sld [smem:$0x3F9D]  }
0x1a: {  	s8 =	sadd.s32 $0xFFFFE003, lr  }
0x1b: {  	s9 =	sadd.s32 $0xFFFFFEF7, lr;
	s5 =	simm.s32 $0xFFFFFFFF;
	p2 =	slt.u32 s8, $0xFFFFF086  }
0x1c: {  	p1 =	slt.u32 s9, $0xF7A;
	s5 =	simm.s32 @!p2 $0x0  }
0x1d: {  	s5 =	simm.s32 @p1 $0x1;
	p0 =	seq.s32 s7, s2  }
0x1e: {  	s7 =	smul.u32 @!p0 $0xF7A, s2;
	p2 =	seq.s32 @!p0 s5, $0x0  }
0x1f: {  	s9 =	smul.u32 $0xF7A, s1;
	s8 =	simm.s32 @!p0 $0x1BF5;
	p2 =	por !p2, p0  }
0x20: {  	[sflag:s8] =	ssyncset.s32 @!p0 $0xFFFFF086;
	s6 =	sadd.s32 @!p0 s3, s7;
	s7 =	simm.s32 @!p0 $0x108  }
0x21: {  	s3 =	sadd.s32 s3, s9;
	s6 =	sadd.s32 @!p0 $0x88, s6;
	s7 =	simm.s32 @p2 $0x1082  }
0x22: {  	[simem:s7], [sflag:s8] =	dma.local @!p0 [hbm:s6], $0xF7A  }
0x23: {  	s9 =	sor.u32 $0xD0000000, s2;
	s6 =	simm.s32 $0x108;
	_ =	swait.ge @!p0 [sflag:s8], $0x0  }
0x24: {  	s3 =	sadd.s32 $0x88, s3;
	s6 =	simm.s32 @!p1 $0x1082;
	[sflag:s4] =	ssyncset.s32 $0xFFFFF086  }
0x25: {  	[simem:s6], [sflag:s4] =	dma.local [hbm:s3], $0xF7A  }
0x26: {  	[smem:$0x3F9D] =	sst s1;
	(tag) =	ssettag s2;
	_ =	strace s9  }
0x27: {  	s1 =	sld [smem:$0x3FAD]  }
0x28: {  	s2 =	sld [smem:$0x3FAE]  }
0x29: {  	s4 =	sld [smem:$0x3FB0]  }
0x2a: {  	p0 =	seq.s32 s5, $0x0;
	s5 =	sld [smem:$0x3FB1]  }
0x2b: {  	s6 =	sld [smem:$0x3FB2]  }
0x2c: {  	s7 =	sld [smem:$0x3FB3]  }
0x2d: {  	s3 =	simm.s32 $0x108;
	s8 =	sld [smem:$0x3FB4]  }
0x2e: {  	s3 =	simm.s32 @!p0 $0x1082;
	s9 =	sld [smem:$0x3FB5]  }
0x2f: {  	lr =	sadd.s32 s0, s3;
	s0 =	sld [smem:$0x3FAC]  }
0x30: {  	s3 =	sld [smem:$0x3FAF]  }
0x31: {  	[smem:$0x3FB8] =	sst s10  }
0x32: {  	s10 =	sld [smem:$0x3FB6];
	_ =	sdelay $0x3  }
0x33: {  	p0 =	seq.s32 s10, $0x1;
	s10 =	sld [smem:$0x3FB8];
	_ =	sdelay $0x3  }
0x34: {  	[smem:$0x3FB8] =	sst s10  }
0x35: {  	s10 =	sld [smem:$0x3FB7];
	_ =	sdelay $0x3  }
0x36: {  	p1 =	seq.s32 s10, $0x1;
	s10 =	sld [smem:$0x3FB8];
	_ =	sdelay $0x3  }
0x37: {  	[smem:$0x3FB8] =	sst s10  }
0x38: {  	s10 =	sld [smem:$0x3FB9]  }
0x39: {  	_ = 	snop;
	(pc) =	sbr.ind lr, $3  }
0x3a: {  	_ = 	snop  }
0x3b: {  	_ = 	snop  }
0x3c: {  	p2 =	seq.s32 s10, $0x1;
	s10 =	sld [smem:$0x3FB8]  }
0x3d: {  	_ =	shalt  }
0x3e: {  	_ =	shalt  }
0x3f: {  	_ =	shalt  }
0x40: {  	_ =	shalt  }
0x41: {  	_ =	shalt  }
0x42: {  	_ =	shalt  }
0x43: {  	_ =	shalt  }
0x44: {  	_ =	shalt  }
0x45: {  	_ =	shalt  }
0x46: {  	_ =	shalt  }
0x47: {  	_ =	shalt  }
0x48: {  	_ =	shalt  }
0x49: {  	_ =	shalt  }
0x4a: {  	_ =	shalt  }
0x4b: {  	_ =	shalt  }
0x4c: {  	_ =	shalt  }
0x4d: {  	_ =	shalt  }
0x4e: {  	_ =	shalt  }
0x4f: {  	_ =	shalt  }
0x50: {  	_ =	shalt  }
0x51: {  	_ =	shalt  }
0x52: {  	_ =	shalt  }
0x53: {  	_ =	shalt  }
0x54: {  	_ =	shalt  }
0x55: {  	_ =	shalt  }
0x56: {  	_ =	shalt  }
0x57: {  	_ =	shalt  }
0x58: {  	_ =	shalt  }
0x59: {  	_ =	shalt  }
0x5a: {  	_ =	shalt  }
0x5b: {  	_ =	shalt  }
0x5c: {  	_ =	shalt  }
0x5d: {  	_ =	shalt  }
0x5e: {  	_ =	shalt  }
0x5f: {  	_ =	shalt  }
0x60: {  	_ =	shalt  }
0x61: {  	_ =	shalt  }
0x62: {  	_ =	shalt  }
0x63: {  	_ =	shalt  }
0x64: {  	_ =	shalt  }
0x65: {  	_ =	shalt  }
0x66: {  	_ =	shalt  }
0x67: {  	_ =	shalt  }
0x68: {  	_ =	shalt  }
0x69: {  	_ =	shalt  }
0x6a: {  	_ =	shalt  }
0x6b: {  	_ =	shalt  }
0x6c: {  	_ =	shalt  }
0x6d: {  	_ =	shalt  }
0x6e: {  	_ =	shalt  }
0x6f: {  	_ =	shalt  }
0x70: {  	_ =	shalt  }
0x71: {  	_ =	shalt  }
0x72: {  	_ =	shalt  }
0x73: {  	_ =	shalt  }
0x74: {  	_ =	shalt  }
0x75: {  	_ =	shalt  }
0x76: {  	_ =	shalt  }
0x77: {  	_ =	shalt  }
0x78: {  	_ =	shalt  }
0x79: {  	_ =	shalt  }
0x7a: {  	_ =	shalt  }
0x7b: {  	_ =	shalt  }
0x7c: {  	_ =	shalt  }
0x7d: {  	_ =	shalt  }
0x7e: {  	_ =	shalt  }
0x7f: {  	_ =	shalt  }
0x80: {  	_ =	shalt  }
0x81: {  	_ =	shalt  }
0x82: {  	_ =	shalt  }
0x83: {  	_ =	shalt  }
0x84: {  	_ =	shalt  }
0x85: {  	_ =	shalt  }
0x86: {  	_ =	shalt  }
0x87: {  	_ =	shalt  }
.Lfunc_end0:
.L_simem_size_0:
called_computation_lowered:
.L_overlay_start_0:
0x88: {  	s2 =	sld [smem:$0x3FD9]  }
0x89: {  	s3 =	sld [smem:$0x3FFE];
	_ =	sdelay $0x1  }
0x8a: {  	s1 =	srdreg.scid  }
0x8b: {  	s0 =	sand.u32 $0x1, s1  }
0x8c: {  	s14 =	sshll.u32 s0, $0xA;
	s2 =	sadd.s32 s3, s2  }
0x8d: {  	s2 =	sadd.s32 s2, s14  }
0x8e: {  	[smem:$0x3FC4] =	sst s2  }
0x8f: {  	_ = 	snop  }
0x90: {  	s2 =	sld [smem:$0x3FD0];
	_ =	sdelay $0x2  }
0x91: {  	s15 =	simm.s32 $0xA;
	s4 =	simm.s32 $0x10  }
0x92: {  	[smem:s4], [sflag:s15] =	dma.local [hbm:s2], $0x1  }
0x93: {  	_ =	swait.eq [sflag:s15], $0x1  }
0x94: {  	[sflag:s15] =	ssyncset.done $0x0  }
0x95: {  	[sflag:s15] =	ssyncadd.s32 $0xFFFFFFFF  }
0x96: {  	s16 =	sld [smem:$0x10];
	(tm) =	ssettm $0x1  }
0x97: {  	s17 =	sld [smem:$0x3FFB];
	_ =	sdelay $0x3  }
0x98: {  	_ =	strace s17  }
0x99: {  	s3 =	sld [smem:$0x3FFC];
	_ =	sdelay $0x3  }
0x9a: {  	_ =	strace s3  }
0x9b: {  	s3 =	sld [smem:$0x3FFD];
	_ =	sdelay $0x3  }
0x9c: {  	_ =	strace s3  }
0x9d: {  	_ =	strace $0x8FFFFFFF  }
0x9e: {  	s18 =	sld [smem:$0x3FDB];
	_ =	sdelay $0x1  }
0x9f: {  	s19 =	simm.s32 $_scs_section_size  }
0xa0: {  	s5 =	simm.s32 $_size__tile_overlayer_lowered;
	s6 =	simm.s32 $_tile_overlayer_lowered  }
0xa1: {  	s22 =	simm.s32 $0x1BFF;
	s21 =	sshll.u32 s6, $0x1;
	s3 =	sadd.s32 s19, s18  }
0xa2: {  	s7 =	simm.s32 $0x0;
	s20 =	sshll.u32 s5, $0x1;
	s5 =	sadd.s32 s21, s3  }
0xa3: {  	[timem:s7], [sflag:s22] =	dma.local [hbm:s5], s20  }
0xa4: {  	_ =	swait.ge [sflag:s22], s20  }
0xa5: {  	s4 =	ssub.s32 $0x0, s20;
	[sflag:s22] =	ssyncset.done $0x0  }
0xa6: {  	[sflag:s22] =	ssyncadd.s32 s4;
	_ =	sdelay $0x1  }
0xa7: {  	s23 =	simm.s32 $0x1B8B  }
0xa8: {  	_ =	swait.ge [sflag:s23], $0x1  }
0xa9: {  	[sflag:s23] =	ssyncset.done $0x0  }
0xaa: {  	s25 =	simm.s32 $0x1B8E;
	s24 =	sld [smem:$0x3FFE];
	[sflag:s23] =	ssyncadd.s32 $0xFFFFFFFF  }
0xab: {  	s26 =	simm.s32 $execute0_lowered;
	[smem:$0x3FD2] =	sst s25  }
0xac: {  	s5 =	sshll.u32 s26, $0x1;
	_ =	strace $0x80000046;
	[dreg:$0x1] =	wrdreg $0xFFFFFFFF  }
0xad: {  	s28 =	simm.s32 $_size_execute0_lowered;
	s3 =	sadd.s32 s3, s5;
	[dreg:$0x0] =	wrdreg $0x0  }
0xae: {  	s5 =	sshll.u32 s28, $0x1;
	[dreg:$0x2] =	wrdreg s3  }
0xaf: {  	[dreg:$0x3] =	wrdreg s5  }
0xb0: {  	[dreg:$0x4] =	wrdreg $0xC0  }
0xb1: {  	_ =	task [dreg:s7], $0x5FFFF  }
0xb2: {  	[dreg:$0x1] =	wrdreg $0xFFFFFFFF  }
0xb3: {  	[dreg:$0x0] =	wrdreg $0x60  }
0xb4: {  	[dreg:$0x2] =	wrdreg s24  }
0xb5: {  	[dreg:$0x3] =	wrdreg s16  }
0xb6: {  	[dreg:$0x4] =	wrdreg $0x9  }
0xb7: {  	_ =	task.clear_ibuf [dreg:s7], $0x5FFFF;
	_ =	strace $0x90000046  }
0xb8: {  	s29 =	simm.s32 $0x9;
	_ =	strace $0x80000048  }
0xb9: {  	_ =	swait.ge [sflag:s29], $0x1  }
0xba: {  	[sflag:s29] =	ssyncadd.s32 $0xFFFFFFFF  }
0xbb: {  	_ =	strace $0x90000048  }
0xbc: {  	_ =	sfence  }
0xbd: {  	s30 =	sld [smem:$0x0];
	_ =	sdelay $0x2  }
0xbe: {  	s31 =	sshll.u32 s1, $0xD;
	s1 =	sshrl.u32 s1, $0x2  }
0xbf: {  	s3 =	sand.u32 $0x4000, s31;
	s1 =	sadd.s32 s1, s30  }
0xc0: {  	s0 =	sor.u32 s3, s0;
	s1 =	sshll.u32 s1, $0x11  }
0xc1: {  	s0 =	sor.u32 s1, s0  }
0xc2: {  	s0 =	sadd.s32 $0x8F2B, s0  }
0xc3: {  	[sflag:s0] =	ssyncadd.remote.s32 $0x1  }
0xc4: {  	_ =	sfence.sel $0xFFFF  }
0xc5: {  	[dreg:$0x0] =	wrdreg $0xFFFFFFFF;
	(pc) =	sbr.abs _section_cstart, $3  }
0xc6: {  	[dreg:$0x1] =	wrdreg $0xFFFFFFFF  }
0xc7: {  	_ =	task.clear_ibuf [dreg:s7], $0x2FFFF;
	_ =	strace $0x9FFFFFFF  }
0xc8: {  	(tm) =	ssettm $0x7FFFFFFF  }
0xc9: {  	_ =	shalt  }
tec
execute0_lowered:
.L_overlay_start_1:
0x0: {  	(tag) =	ssettag $0x1  }
0x1: {  	s1 =	srdreg.scid  }
0x2: {  	s0 =	stileid.u32;
	s6 =	sand.u32 $0x1, s1  }
0x3: {  	s5 =	rddreg [dreg:$0x0];
	s30 =	sshll.u32 s0, $0xA;
	s2 =	sshll.u32 s6, $0x9  }
0x4: {  	s8 =	rddreg [dreg:$0x1];
	s9 =	sor.u32 s2, s30  }
0x5: {  	s1 =	rddreg [dreg:$0x2];
	s2 =	simm.s32 $0x0;
	s3 =	sshrl.u32 s9, $0x3  }
0x6: {  	s10 =	ssub.s32 $0x2, s6;
	[smem:$0x7FF] =	sst s2;
	s3 =	sadd.s32 s3, s5  }
0x7: {  	_ =	strace $0x80000047;
	s4 =	sadd.s32 $0x8400, s3;
	s3 =	simm.s32 $0x2  }
0x8: {  	[tilespmem:s2], [sflag:$0x2] =	stream.linear.gather [hbm4b:s4+s2], $0x200, $0x38;
	[tilespmem:$0x4200] =	vst v63  }
0x9: {  	s7 =	simm.s32 $0x1;
	s11 =	sshrl.u32 s10, $0x1;
	_ =	swait.ge [sflag:s3], $0x200  }
0xa: {  	s6 =	simm.s32 $0x200;
	s10 =	ssub.s32 s10, s11;
	[sflag:s3] =	ssyncset.done $0x0  }
0xb: {  	s5 =	sadd.s32 $0x400, s5;
	s31 =	smax.u32 s10, $0x1;
	[sflag:s3] =	ssyncadd.s32 $0xFFFFFE00  }
0xc: {  	[tilespmem:s6], [sflag:$0x1] =	stream.indirect.gather [hbm4b:s5+s6], $0x20, s2, s6, $0xb8;
	[tilespmem:$0x4200] =	vst v63  }
0xd: {  	p0 =	sne.s32 s31, $0x1;
	_ =	swait.ge [sflag:s7], $0x4000  }
.Ltmp0:
0xe: {  	s9 =	sshll.u32 s9, $0x2;
	[sflag:s7] =	ssyncset.done $0x0;
	(pc) =	sbr.rel @!p0 .LBB2_2-.Ltmp0, $4  }
0xf: {  	s8 =	sadd.s32 s8, s9;
	[sflag:s7] =	ssyncadd.s32 $0xFFFFC000  }
0x10: {  	[hbm4b:s8+s2] =	stream.linear.scatter [tilespmem:s6], [sflag:$0x2], $0x4000, $0x38;
	[tilespmem:$0x4200] =	vst v63  }
0x11: {  	_ =	swait.ge [sflag:s3], $0x4000  }
0x12: {  	s9 =	sadd.s32 $0xFFFFFFFF, s31;
	[sflag:s3] =	ssyncset.done $0x0  }
.LBB2_1:
0x13: {  	p0 =	sne.s32 s9, $0x1;
	s9 =	sadd.s32 $0xFFFFFFFF, s9;
	[sflag:s3] =	ssyncadd.s32 $0xFFFFC000  }
0x14: {  	[tilespmem:s2], [sflag:$0x2] =	stream.linear.gather [hbm4b:s4+s2], $0x200, $0x38;
	[tilespmem:$0x4200] =	vst v63  }
0x15: {  	_ =	swait.ge [sflag:s3], $0x200  }
0x16: {  	[sflag:s3] =	ssyncset.done $0x0  }
0x17: {  	[sflag:s3] =	ssyncadd.s32 $0xFFFFFE00  }
0x18: {  	[tilespmem:s6], [sflag:$0x1] =	stream.indirect.gather [hbm4b:s5+s6], $0x20, s2, s6, $0xb8;
	[tilespmem:$0x4200] =	vst v63  }
0x19: {  	_ =	swait.ge [sflag:s7], $0x4000  }
.Ltmp1:
0x1a: {  	[sflag:s7] =	ssyncset.done $0x0;
	(pc) =	sbr.rel @p0 .LBB2_1-.Ltmp1, $4  }
0x1b: {  	[sflag:s7] =	ssyncadd.s32 $0xFFFFC000  }
0x1c: {  	[hbm4b:s8+s2] =	stream.linear.scatter [tilespmem:s6], [sflag:$0x2], $0x4000, $0x38;
	[tilespmem:$0x4200] =	vst v63  }
0x1d: {  	_ =	swait.ge [sflag:s3], $0x4000  }
0x1e: {  	[sflag:s3] =	ssyncset.done $0x0  }
.LBB2_2:
0x1f: {  	[sflag:s3] =	ssyncadd.s32 $0xFFFFC000  }
0x20: {  	_ =	sfence.sel $0x180000  }
0x21: {  	[bflag:$0x0] =	sbarrier.arrive $0xFFFF  }
0x22: {  	p0 =	sne.s32 s0, $0x0;
	_ =	strace $0x90000047  }
0x23: {  	s0 =	sadd.s32 @!p0 $0x100000, s1;
	[bflag:$0x2] =	sbarrier.arrive $0xFFFF  }
0x24: {  	[sflag:s0] =	ssyncadd.tile.s32 @!p0 $0x1;
	_ =	shalt  }
.Lfunc_end2:
_tile_overlayer_lowered:
.L_overlay_start_2:
0x25: {  	(tag) =	ssettag $0x2  }
0x26: {  	s0 =	rddreg [dreg:$0x0];
	s2 =	stileid.u32  }
0x27: {  	s1 =	rddreg [dreg:$0x1];
	p0 =	sne.s32 s2, $0x0  }
0x28: {  	s3 =	rddreg [dreg:$0x2];
	[bflag:$0x3] =	sbarrier.arrive $0xFFFF;
	s2 =	simm.s32 @!p0 $0x1C02  }
0x29: {  	[timem:s3], [sflag:s2] =	dma.local @!p0 [hbm:s0], s1  }
0x2a: {  	s0 =	simm.s32 @!p0 $0x2  }
0x2b: {  	_ =	swait.ge @!p0 [sflag:s0], s1  }
0x2c: {  	s1 =	ssub.s32 @!p0 $0x0, s1;
	[sflag:s0] =	ssyncset.done @!p0 $0x0  }
0x2d: {  	[sflag:s0] =	ssyncadd.s32 @!p0 s1  }
0x2e: {  	[bflag:$0x3] =	sbarrier.arrive $0xFFFF  }
0x2f: {  	_ =	shalt  }

</sc_bundles>
